<compile_context>
chip_gen: v7x
topology: tpu7x:2x2x1
jax: 0.10.2.dev20260603
libtpu: 0.0.44.dev20260713+nightly
codegen_flags: <defaults>
</compile_context>

<pallas_src>
import functools

import jax
import jax.numpy as jnp
from jax import lax
from jax.experimental import pallas as pl
from jax.experimental.pallas import tpu as pltpu
from jax.experimental.pallas import tpu_sc as plsc

_POSE_NUM = 100000
_EMBED_DIM = 6
_BATCH = 16384

_NUM_CORES = 2
_NUM_SUBCORES = 16
_NUM_WORKERS = _NUM_CORES * _NUM_SUBCORES
_B_PER_W = _BATCH // _NUM_WORKERS

_mesh = plsc.VectorSubcoreMesh(core_axis_name="c", subcore_axis_name="s")


@functools.partial(
    pl.kernel,
    mesh=_mesh,
    out_type=jax.ShapeDtypeStruct((_EMBED_DIM, _BATCH), jnp.float32),
    scratch_types=[
        pltpu.VMEM((_B_PER_W,), jnp.int32),
        pltpu.VMEM((_EMBED_DIM, _B_PER_W), jnp.float32),
        pltpu.SemaphoreType.DMA,
        pltpu.SemaphoreType.DMA,
    ],
    compiler_params=pltpu.CompilerParams(use_tc_tiling_on_sc=False),
)
def _gather_kernel(idx_hbm, table_hbm, out_hbm, idx_v, cols_v, gsem, osem):
    wid = lax.axis_index("s") * _NUM_CORES + lax.axis_index("c")
    base = wid * _B_PER_W
    pltpu.sync_copy(idx_hbm.at[pl.ds(base, _B_PER_W)], idx_v)
    gathers = [
        pltpu.async_copy(table_hbm.at[j].at[idx_v], cols_v.at[j], gsem)
        for j in range(_EMBED_DIM)
    ]
    writes = []
    for j in range(_EMBED_DIM):
        gathers[j].wait()
        writes.append(
            pltpu.async_copy(
                cols_v.at[j], out_hbm.at[j, pl.ds(base, _B_PER_W)], osem
            )
        )
    for w in writes:
        w.wait()


def kernel(indices, table):
    out_t = _gather_kernel(indices.astype(jnp.int32), table.T)
    return out_t.T

# --- scband reference (transcript-rebuilt; emitter-appended) ---
"""Pipeline reference for scband-camera-pose-42795054137733 (READ-ONLY COPY).

The authoritative reference and input builder live on the scoring server;
editing this copy changes nothing except your own understanding.
"""

import jax, jax.numpy as jnp
import numpy as np

POSE_NUM = 100000
EMBED_DIM = 6
BATCH = 16384

def setup_inputs(seed: int = 0) -> dict:
    key = jax.random.key(seed)
    k1, k2 = jax.random.split(key)
    indices = jax.random.randint(k1, (BATCH,), 0, POSE_NUM, dtype=jnp.int64 if jax.config.jax_enable_x64 else jnp.int32)
    table = jax.random.normal(k2, (POSE_NUM, EMBED_DIM), dtype=jnp.float32)
    return {"indices": indices, "table": table}

def reference(indices, table):
    # CameraPose.forward is the nn.Embedding lookup: params(indices)
    return jnp.take(table, indices, axis=0)

if __name__ == "__main__":
    import jax
    _d = setup_inputs()
    print(jax.jit(kernel)(*tuple(_d.values())))

</pallas_src>

<mosaic_0001>
#map = affine_map<(d0, d1) -> (0)>
#map1 = affine_map<(d0, d1) -> (0, 0)>
module attributes {stable_mosaic.version = 14 : i64} {
  func.func @_gather_kernel(%arg0: i32, %arg1: i32, %arg2: memref<16384xi32, #tpu.memory_space<hbm>>, %arg3: memref<6x100000xf32, #tpu.memory_space<hbm>>, %arg4: memref<6x16384xf32, #tpu.memory_space<hbm>>, %arg5: memref<512xi32, #tpu.memory_space<vmem>>, %arg6: memref<6x512xf32, #tpu.memory_space<vmem>>, %arg7: memref<!tpu.dma_semaphore, #tpu.memory_space<semaphore_mem>>, %arg8: memref<!tpu.dma_semaphore, #tpu.memory_space<semaphore_mem>>) attributes {dimension_semantics = [#tpu.dimension_semantics<core_parallel>, #tpu.dimension_semantics<subcore_parallel>], iteration_bounds = array<i64: 2, 16>, scalar_prefetch = 0 : i64, scratch_operands = 4 : i64, tpu.core_type = #tpu.core_type<sc_vector_subcore>, window_params = [{transform_indices = #map}, {transform_indices = #map1}, {transform_indices = #map1}]} {
    %mul3A = arith.constant 2 : i32
    %mul3A_0 = arith.muli %arg1, %mul3A : i32
    %add3A = arith.addi %mul3A_0, %arg0 : i32
    %mul3A_1 = arith.constant 512 : i32
    %mul3A_2 = arith.muli %add3A, %mul3A_1 : i32
    "tpu.region"() ({
      %run_scoped3A = tpu.sem_alloc : memref<!tpu.dma_semaphore, #tpu.memory_space<semaphore_mem>>
      %dma_start3A_265 = tpu.memref_slice %arg2[%mul3A_2] : memref<16384xi32, #tpu.memory_space<hbm>> -> memref<512xi32, #tpu.memory_space<hbm>>
      %dma_start3A_266 = tpu.memref_slice %arg2[%mul3A_2] : memref<16384xi32, #tpu.memory_space<hbm>> -> memref<512xi32, #tpu.memory_space<hbm>>
      tpu.enqueue_dma source(%dma_start3A_266 : memref<512xi32, #tpu.memory_space<hbm>>) target(%arg5 : memref<512xi32, #tpu.memory_space<vmem>>) target_semaphore(%run_scoped3A : memref<!tpu.dma_semaphore, #tpu.memory_space<semaphore_mem>>)
      %dma_wait3A_267 = tpu.memref_slice %arg2[%mul3A_2] : memref<16384xi32, #tpu.memory_space<hbm>> -> memref<512xi32, #tpu.memory_space<hbm>>
      %dma_wait3A_268 = tpu.memref_slice %arg2[%mul3A_2] : memref<16384xi32, #tpu.memory_space<hbm>> -> memref<512xi32, #tpu.memory_space<hbm>>
      tpu.wait_dma2 semaphore(%run_scoped3A : memref<!tpu.dma_semaphore, #tpu.memory_space<semaphore_mem>>) src(%dma_wait3A_268 : memref<512xi32, #tpu.memory_space<hbm>>) dst(%arg5 : memref<512xi32, #tpu.memory_space<vmem>>)
      tpu.yield
    }) : () -> ()
    %dma_start3A = arith.constant 0 : i32
    %dma_start3A_3 = arith.constant 0 : i32
    %dma_start3A_4 = arith.constant 0 : i32
    %dma_start3A_5 = tpu.memref_slice %arg6[%dma_start3A_3, %dma_start3A_4] : memref<6x512xf32, #tpu.memory_space<vmem>> -> memref<1x512xf32, #tpu.memory_space<vmem>>
    %dma_start3A_6 = tpu.memref_squeeze %dma_start3A_5 : memref<1x512xf32, #tpu.memory_space<vmem>> -> memref<512xf32, #tpu.memory_space<vmem>>
    %dma_start3A_7 = arith.constant 0 : i32
    %dma_start3A_8 = tpu.memref_slice %arg3[%dma_start3A, %dma_start3A_7] : memref<6x100000xf32, #tpu.memory_space<hbm>> -> memref<1x100000xf32, #tpu.memory_space<hbm>>
    %dma_start3A_9 = tpu.memref_squeeze %dma_start3A_8 : memref<1x100000xf32, #tpu.memory_space<hbm>> -> memref<100000xf32, #tpu.memory_space<hbm>>
    %dma_start3A_10 = arith.constant 0 : i32
    %dma_start3A_11 = tpu.memref_slice %dma_start3A_9[%dma_start3A_10] : memref<100000xf32, #tpu.memory_space<hbm>> -> memref<100000xf32, #tpu.memory_space<hbm>>
    tpu.enqueue_indirect_dma source(%dma_start3A_11 : memref<100000xf32, #tpu.memory_space<hbm>>) target(%dma_start3A_6 : memref<512xf32, #tpu.memory_space<vmem>>) offsets(%arg5 : memref<512xi32, #tpu.memory_space<vmem>>) semaphore(%arg7 : memref<!tpu.dma_semaphore, #tpu.memory_space<semaphore_mem>>)
    %dma_start3A_12 = arith.constant 1 : i32
    %dma_start3A_13 = arith.constant 1 : i32
    %dma_start3A_14 = arith.constant 0 : i32
    %dma_start3A_15 = tpu.memref_slice %arg6[%dma_start3A_13, %dma_start3A_14] : memref<6x512xf32, #tpu.memory_space<vmem>> -> memref<1x512xf32, #tpu.memory_space<vmem>>
    %dma_start3A_16 = tpu.memref_squeeze %dma_start3A_15 : memref<1x512xf32, #tpu.memory_space<vmem>> -> memref<512xf32, #tpu.memory_space<vmem>>
    %dma_start3A_17 = arith.constant 0 : i32
    %dma_start3A_18 = tpu.memref_slice %arg3[%dma_start3A_12, %dma_start3A_17] : memref<6x100000xf32, #tpu.memory_space<hbm>> -> memref<1x100000xf32, #tpu.memory_space<hbm>>
    %dma_start3A_19 = tpu.memref_squeeze %dma_start3A_18 : memref<1x100000xf32, #tpu.memory_space<hbm>> -> memref<100000xf32, #tpu.memory_space<hbm>>
    %dma_start3A_20 = arith.constant 0 : i32
    %dma_start3A_21 = tpu.memref_slice %dma_start3A_19[%dma_start3A_20] : memref<100000xf32, #tpu.memory_space<hbm>> -> memref<100000xf32, #tpu.memory_space<hbm>>
    tpu.enqueue_indirect_dma source(%dma_start3A_21 : memref<100000xf32, #tpu.memory_space<hbm>>) target(%dma_start3A_16 : memref<512xf32, #tpu.memory_space<vmem>>) offsets(%arg5 : memref<512xi32, #tpu.memory_space<vmem>>) semaphore(%arg7 : memref<!tpu.dma_semaphore, #tpu.memory_space<semaphore_mem>>)
    %dma_start3A_22 = arith.constant 2 : i32
    %dma_start3A_23 = arith.constant 2 : i32
    %dma_start3A_24 = arith.constant 0 : i32
    %dma_start3A_25 = tpu.memref_slice %arg6[%dma_start3A_23, %dma_start3A_24] : memref<6x512xf32, #tpu.memory_space<vmem>> -> memref<1x512xf32, #tpu.memory_space<vmem>>
    %dma_start3A_26 = tpu.memref_squeeze %dma_start3A_25 : memref<1x512xf32, #tpu.memory_space<vmem>> -> memref<512xf32, #tpu.memory_space<vmem>>
    %dma_start3A_27 = arith.constant 0 : i32
    %dma_start3A_28 = tpu.memref_slice %arg3[%dma_start3A_22, %dma_start3A_27] : memref<6x100000xf32, #tpu.memory_space<hbm>> -> memref<1x100000xf32, #tpu.memory_space<hbm>>
    %dma_start3A_29 = tpu.memref_squeeze %dma_start3A_28 : memref<1x100000xf32, #tpu.memory_space<hbm>> -> memref<100000xf32, #tpu.memory_space<hbm>>
    %dma_start3A_30 = arith.constant 0 : i32
    %dma_start3A_31 = tpu.memref_slice %dma_start3A_29[%dma_start3A_30] : memref<100000xf32, #tpu.memory_space<hbm>> -> memref<100000xf32, #tpu.memory_space<hbm>>
    tpu.enqueue_indirect_dma source(%dma_start3A_31 : memref<100000xf32, #tpu.memory_space<hbm>>) target(%dma_start3A_26 : memref<512xf32, #tpu.memory_space<vmem>>) offsets(%arg5 : memref<512xi32, #tpu.memory_space<vmem>>) semaphore(%arg7 : memref<!tpu.dma_semaphore, #tpu.memory_space<semaphore_mem>>)
    %dma_start3A_32 = arith.constant 3 : i32
    %dma_start3A_33 = arith.constant 3 : i32
    %dma_start3A_34 = arith.constant 0 : i32
    %dma_start3A_35 = tpu.memref_slice %arg6[%dma_start3A_33, %dma_start3A_34] : memref<6x512xf32, #tpu.memory_space<vmem>> -> memref<1x512xf32, #tpu.memory_space<vmem>>
    %dma_start3A_36 = tpu.memref_squeeze %dma_start3A_35 : memref<1x512xf32, #tpu.memory_space<vmem>> -> memref<512xf32, #tpu.memory_space<vmem>>
    %dma_start3A_37 = arith.constant 0 : i32
    %dma_start3A_38 = tpu.memref_slice %arg3[%dma_start3A_32, %dma_start3A_37] : memref<6x100000xf32, #tpu.memory_space<hbm>> -> memref<1x100000xf32, #tpu.memory_space<hbm>>
    %dma_start3A_39 = tpu.memref_squeeze %dma_start3A_38 : memref<1x100000xf32, #tpu.memory_space<hbm>> -> memref<100000xf32, #tpu.memory_space<hbm>>
    %dma_start3A_40 = arith.constant 0 : i32
    %dma_start3A_41 = tpu.memref_slice %dma_start3A_39[%dma_start3A_40] : memref<100000xf32, #tpu.memory_space<hbm>> -> memref<100000xf32, #tpu.memory_space<hbm>>
    tpu.enqueue_indirect_dma source(%dma_start3A_41 : memref<100000xf32, #tpu.memory_space<hbm>>) target(%dma_start3A_36 : memref<512xf32, #tpu.memory_space<vmem>>) offsets(%arg5 : memref<512xi32, #tpu.memory_space<vmem>>) semaphore(%arg7 : memref<!tpu.dma_semaphore, #tpu.memory_space<semaphore_mem>>)
    %dma_start3A_42 = arith.constant 4 : i32
    %dma_start3A_43 = arith.constant 4 : i32
    %dma_start3A_44 = arith.constant 0 : i32
    %dma_start3A_45 = tpu.memref_slice %arg6[%dma_start3A_43, %dma_start3A_44] : memref<6x512xf32, #tpu.memory_space<vmem>> -> memref<1x512xf32, #tpu.memory_space<vmem>>
    %dma_start3A_46 = tpu.memref_squeeze %dma_start3A_45 : memref<1x512xf32, #tpu.memory_space<vmem>> -> memref<512xf32, #tpu.memory_space<vmem>>
    %dma_start3A_47 = arith.constant 0 : i32
    %dma_start3A_48 = tpu.memref_slice %arg3[%dma_start3A_42, %dma_start3A_47] : memref<6x100000xf32, #tpu.memory_space<hbm>> -> memref<1x100000xf32, #tpu.memory_space<hbm>>
    %dma_start3A_49 = tpu.memref_squeeze %dma_start3A_48 : memref<1x100000xf32, #tpu.memory_space<hbm>> -> memref<100000xf32, #tpu.memory_space<hbm>>
    %dma_start3A_50 = arith.constant 0 : i32
    %dma_start3A_51 = tpu.memref_slice %dma_start3A_49[%dma_start3A_50] : memref<100000xf32, #tpu.memory_space<hbm>> -> memref<100000xf32, #tpu.memory_space<hbm>>
    tpu.enqueue_indirect_dma source(%dma_start3A_51 : memref<100000xf32, #tpu.memory_space<hbm>>) target(%dma_start3A_46 : memref<512xf32, #tpu.memory_space<vmem>>) offsets(%arg5 : memref<512xi32, #tpu.memory_space<vmem>>) semaphore(%arg7 : memref<!tpu.dma_semaphore, #tpu.memory_space<semaphore_mem>>)
    %dma_start3A_52 = arith.constant 5 : i32
    %dma_start3A_53 = arith.constant 5 : i32
    %dma_start3A_54 = arith.constant 0 : i32
    %dma_start3A_55 = tpu.memref_slice %arg6[%dma_start3A_53, %dma_start3A_54] : memref<6x512xf32, #tpu.memory_space<vmem>> -> memref<1x512xf32, #tpu.memory_space<vmem>>
    %dma_start3A_56 = tpu.memref_squeeze %dma_start3A_55 : memref<1x512xf32, #tpu.memory_space<vmem>> -> memref<512xf32, #tpu.memory_space<vmem>>
    %dma_start3A_57 = arith.constant 0 : i32
    %dma_start3A_58 = tpu.memref_slice %arg3[%dma_start3A_52, %dma_start3A_57] : memref<6x100000xf32, #tpu.memory_space<hbm>> -> memref<1x100000xf32, #tpu.memory_space<hbm>>
    %dma_start3A_59 = tpu.memref_squeeze %dma_start3A_58 : memref<1x100000xf32, #tpu.memory_space<hbm>> -> memref<100000xf32, #tpu.memory_space<hbm>>
    %dma_start3A_60 = arith.constant 0 : i32
    %dma_start3A_61 = tpu.memref_slice %dma_start3A_59[%dma_start3A_60] : memref<100000xf32, #tpu.memory_space<hbm>> -> memref<100000xf32, #tpu.memory_space<hbm>>
    tpu.enqueue_indirect_dma source(%dma_start3A_61 : memref<100000xf32, #tpu.memory_space<hbm>>) target(%dma_start3A_56 : memref<512xf32, #tpu.memory_space<vmem>>) offsets(%arg5 : memref<512xi32, #tpu.memory_space<vmem>>) semaphore(%arg7 : memref<!tpu.dma_semaphore, #tpu.memory_space<semaphore_mem>>)
    %dma_wait3A = arith.constant 0 : i32
    %dma_wait3A_62 = arith.constant 0 : i32
    %dma_wait3A_63 = arith.constant 0 : i32
    %dma_wait3A_64 = tpu.memref_slice %arg6[%dma_wait3A_62, %dma_wait3A_63] : memref<6x512xf32, #tpu.memory_space<vmem>> -> memref<1x512xf32, #tpu.memory_space<vmem>>
    %dma_wait3A_65 = tpu.memref_squeeze %dma_wait3A_64 : memref<1x512xf32, #tpu.memory_space<vmem>> -> memref<512xf32, #tpu.memory_space<vmem>>
    %dma_wait3A_66 = arith.constant 0 : i32
    %dma_wait3A_67 = tpu.memref_slice %arg3[%dma_wait3A, %dma_wait3A_66] : memref<6x100000xf32, #tpu.memory_space<hbm>> -> memref<1x100000xf32, #tpu.memory_space<hbm>>
    %dma_wait3A_68 = tpu.memref_squeeze %dma_wait3A_67 : memref<1x100000xf32, #tpu.memory_space<hbm>> -> memref<100000xf32, #tpu.memory_space<hbm>>
    %dma_wait3A_69 = arith.constant 0 : i32
    %dma_wait3A_70 = tpu.memref_slice %dma_wait3A_68[%dma_wait3A_69] : memref<100000xf32, #tpu.memory_space<hbm>> -> memref<100000xf32, #tpu.memory_space<hbm>>
    tpu.wait_indirect_dma semaphore(%arg7 : memref<!tpu.dma_semaphore, #tpu.memory_space<semaphore_mem>>) src(%dma_wait3A_70 : memref<100000xf32, #tpu.memory_space<hbm>>) dst(%dma_wait3A_65 : memref<512xf32, #tpu.memory_space<vmem>>)
    %dma_start3A_71 = arith.constant 0 : i32
    %dma_start3A_72 = arith.constant 0 : i32
    %dma_start3A_73 = arith.constant 0 : i32
    %dma_start3A_74 = tpu.memref_slice %arg6[%dma_start3A_71, %dma_start3A_73] : memref<6x512xf32, #tpu.memory_space<vmem>> -> memref<1x512xf32, #tpu.memory_space<vmem>>
    %dma_start3A_75 = tpu.memref_squeeze %dma_start3A_74 : memref<1x512xf32, #tpu.memory_space<vmem>> -> memref<512xf32, #tpu.memory_space<vmem>>
    %dma_start3A_76 = tpu.memref_slice %arg4[%dma_start3A_72, %mul3A_2] : memref<6x16384xf32, #tpu.memory_space<hbm>> -> memref<1x512xf32, #tpu.memory_space<hbm>>
    %dma_start3A_77 = tpu.memref_squeeze %dma_start3A_76 : memref<1x512xf32, #tpu.memory_space<hbm>> -> memref<512xf32, #tpu.memory_space<hbm>>
    %dma_start3A_78 = tpu.memref_slice %arg4[%dma_start3A_72, %mul3A_2] : memref<6x16384xf32, #tpu.memory_space<hbm>> -> memref<1x512xf32, #tpu.memory_space<hbm>>
    %dma_start3A_79 = tpu.memref_squeeze %dma_start3A_78 : memref<1x512xf32, #tpu.memory_space<hbm>> -> memref<512xf32, #tpu.memory_space<hbm>>
    %dma_start3A_80 = arith.constant 0 : i32
    %dma_start3A_81 = tpu.memref_slice %arg6[%dma_start3A_71, %dma_start3A_80] : memref<6x512xf32, #tpu.memory_space<vmem>> -> memref<1x512xf32, #tpu.memory_space<vmem>>
    %dma_start3A_82 = tpu.memref_squeeze %dma_start3A_81 : memref<1x512xf32, #tpu.memory_space<vmem>> -> memref<512xf32, #tpu.memory_space<vmem>>
    tpu.enqueue_dma source(%dma_start3A_82 : memref<512xf32, #tpu.memory_space<vmem>>) target(%dma_start3A_79 : memref<512xf32, #tpu.memory_space<hbm>>) target_semaphore(%arg8 : memref<!tpu.dma_semaphore, #tpu.memory_space<semaphore_mem>>)
    %dma_wait3A_83 = arith.constant 1 : i32
    %dma_wait3A_84 = arith.constant 1 : i32
    %dma_wait3A_85 = arith.constant 0 : i32
    %dma_wait3A_86 = tpu.memref_slice %arg6[%dma_wait3A_84, %dma_wait3A_85] : memref<6x512xf32, #tpu.memory_space<vmem>> -> memref<1x512xf32, #tpu.memory_space<vmem>>
    %dma_wait3A_87 = tpu.memref_squeeze %dma_wait3A_86 : memref<1x512xf32, #tpu.memory_space<vmem>> -> memref<512xf32, #tpu.memory_space<vmem>>
    %dma_wait3A_88 = arith.constant 0 : i32
    %dma_wait3A_89 = tpu.memref_slice %arg3[%dma_wait3A_83, %dma_wait3A_88] : memref<6x100000xf32, #tpu.memory_space<hbm>> -> memref<1x100000xf32, #tpu.memory_space<hbm>>
    %dma_wait3A_90 = tpu.memref_squeeze %dma_wait3A_89 : memref<1x100000xf32, #tpu.memory_space<hbm>> -> memref<100000xf32, #tpu.memory_space<hbm>>
    %dma_wait3A_91 = arith.constant 0 : i32
    %dma_wait3A_92 = tpu.memref_slice %dma_wait3A_90[%dma_wait3A_91] : memref<100000xf32, #tpu.memory_space<hbm>> -> memref<100000xf32, #tpu.memory_space<hbm>>
    tpu.wait_indirect_dma semaphore(%arg7 : memref<!tpu.dma_semaphore, #tpu.memory_space<semaphore_mem>>) src(%dma_wait3A_92 : memref<100000xf32, #tpu.memory_space<hbm>>) dst(%dma_wait3A_87 : memref<512xf32, #tpu.memory_space<vmem>>)
    %dma_start3A_93 = arith.constant 1 : i32
    %dma_start3A_94 = arith.constant 1 : i32
    %dma_start3A_95 = arith.constant 0 : i32
    %dma_start3A_96 = tpu.memref_slice %arg6[%dma_start3A_93, %dma_start3A_95] : memref<6x512xf32, #tpu.memory_space<vmem>> -> memref<1x512xf32, #tpu.memory_space<vmem>>
    %dma_start3A_97 = tpu.memref_squeeze %dma_start3A_96 : memref<1x512xf32, #tpu.memory_space<vmem>> -> memref<512xf32, #tpu.memory_space<vmem>>
    %dma_start3A_98 = tpu.memref_slice %arg4[%dma_start3A_94, %mul3A_2] : memref<6x16384xf32, #tpu.memory_space<hbm>> -> memref<1x512xf32, #tpu.memory_space<hbm>>
    %dma_start3A_99 = tpu.memref_squeeze %dma_start3A_98 : memref<1x512xf32, #tpu.memory_space<hbm>> -> memref<512xf32, #tpu.memory_space<hbm>>
    %dma_start3A_100 = tpu.memref_slice %arg4[%dma_start3A_94, %mul3A_2] : memref<6x16384xf32, #tpu.memory_space<hbm>> -> memref<1x512xf32, #tpu.memory_space<hbm>>
    %dma_start3A_101 = tpu.memref_squeeze %dma_start3A_100 : memref<1x512xf32, #tpu.memory_space<hbm>> -> memref<512xf32, #tpu.memory_space<hbm>>
    %dma_start3A_102 = arith.constant 0 : i32
    %dma_start3A_103 = tpu.memref_slice %arg6[%dma_start3A_93, %dma_start3A_102] : memref<6x512xf32, #tpu.memory_space<vmem>> -> memref<1x512xf32, #tpu.memory_space<vmem>>
    %dma_start3A_104 = tpu.memref_squeeze %dma_start3A_103 : memref<1x512xf32, #tpu.memory_space<vmem>> -> memref<512xf32, #tpu.memory_space<vmem>>
    tpu.enqueue_dma source(%dma_start3A_104 : memref<512xf32, #tpu.memory_space<vmem>>) target(%dma_start3A_101 : memref<512xf32, #tpu.memory_space<hbm>>) target_semaphore(%arg8 : memref<!tpu.dma_semaphore, #tpu.memory_space<semaphore_mem>>)
    %dma_wait3A_105 = arith.constant 2 : i32
    %dma_wait3A_106 = arith.constant 2 : i32
    %dma_wait3A_107 = arith.constant 0 : i32
    %dma_wait3A_108 = tpu.memref_slice %arg6[%dma_wait3A_106, %dma_wait3A_107] : memref<6x512xf32, #tpu.memory_space<vmem>> -> memref<1x512xf32, #tpu.memory_space<vmem>>
    %dma_wait3A_109 = tpu.memref_squeeze %dma_wait3A_108 : memref<1x512xf32, #tpu.memory_space<vmem>> -> memref<512xf32, #tpu.memory_space<vmem>>
    %dma_wait3A_110 = arith.constant 0 : i32
    %dma_wait3A_111 = tpu.memref_slice %arg3[%dma_wait3A_105, %dma_wait3A_110] : memref<6x100000xf32, #tpu.memory_space<hbm>> -> memref<1x100000xf32, #tpu.memory_space<hbm>>
    %dma_wait3A_112 = tpu.memref_squeeze %dma_wait3A_111 : memref<1x100000xf32, #tpu.memory_space<hbm>> -> memref<100000xf32, #tpu.memory_space<hbm>>
    %dma_wait3A_113 = arith.constant 0 : i32
    %dma_wait3A_114 = tpu.memref_slice %dma_wait3A_112[%dma_wait3A_113] : memref<100000xf32, #tpu.memory_space<hbm>> -> memref<100000xf32, #tpu.memory_space<hbm>>
    tpu.wait_indirect_dma semaphore(%arg7 : memref<!tpu.dma_semaphore, #tpu.memory_space<semaphore_mem>>) src(%dma_wait3A_114 : memref<100000xf32, #tpu.memory_space<hbm>>) dst(%dma_wait3A_109 : memref<512xf32, #tpu.memory_space<vmem>>)
    %dma_start3A_115 = arith.constant 2 : i32
    %dma_start3A_116 = arith.constant 2 : i32
    %dma_start3A_117 = arith.constant 0 : i32
    %dma_start3A_118 = tpu.memref_slice %arg6[%dma_start3A_115, %dma_start3A_117] : memref<6x512xf32, #tpu.memory_space<vmem>> -> memref<1x512xf32, #tpu.memory_space<vmem>>
    %dma_start3A_119 = tpu.memref_squeeze %dma_start3A_118 : memref<1x512xf32, #tpu.memory_space<vmem>> -> memref<512xf32, #tpu.memory_space<vmem>>
    %dma_start3A_120 = tpu.memref_slice %arg4[%dma_start3A_116, %mul3A_2] : memref<6x16384xf32, #tpu.memory_space<hbm>> -> memref<1x512xf32, #tpu.memory_space<hbm>>
    %dma_start3A_121 = tpu.memref_squeeze %dma_start3A_120 : memref<1x512xf32, #tpu.memory_space<hbm>> -> memref<512xf32, #tpu.memory_space<hbm>>
    %dma_start3A_122 = tpu.memref_slice %arg4[%dma_start3A_116, %mul3A_2] : memref<6x16384xf32, #tpu.memory_space<hbm>> -> memref<1x512xf32, #tpu.memory_space<hbm>>
    %dma_start3A_123 = tpu.memref_squeeze %dma_start3A_122 : memref<1x512xf32, #tpu.memory_space<hbm>> -> memref<512xf32, #tpu.memory_space<hbm>>
    %dma_start3A_124 = arith.constant 0 : i32
    %dma_start3A_125 = tpu.memref_slice %arg6[%dma_start3A_115, %dma_start3A_124] : memref<6x512xf32, #tpu.memory_space<vmem>> -> memref<1x512xf32, #tpu.memory_space<vmem>>
    %dma_start3A_126 = tpu.memref_squeeze %dma_start3A_125 : memref<1x512xf32, #tpu.memory_space<vmem>> -> memref<512xf32, #tpu.memory_space<vmem>>
    tpu.enqueue_dma source(%dma_start3A_126 : memref<512xf32, #tpu.memory_space<vmem>>) target(%dma_start3A_123 : memref<512xf32, #tpu.memory_space<hbm>>) target_semaphore(%arg8 : memref<!tpu.dma_semaphore, #tpu.memory_space<semaphore_mem>>)
    %dma_wait3A_127 = arith.constant 3 : i32
    %dma_wait3A_128 = arith.constant 3 : i32
    %dma_wait3A_129 = arith.constant 0 : i32
    %dma_wait3A_130 = tpu.memref_slice %arg6[%dma_wait3A_128, %dma_wait3A_129] : memref<6x512xf32, #tpu.memory_space<vmem>> -> memref<1x512xf32, #tpu.memory_space<vmem>>
    %dma_wait3A_131 = tpu.memref_squeeze %dma_wait3A_130 : memref<1x512xf32, #tpu.memory_space<vmem>> -> memref<512xf32, #tpu.memory_space<vmem>>
    %dma_wait3A_132 = arith.constant 0 : i32
    %dma_wait3A_133 = tpu.memref_slice %arg3[%dma_wait3A_127, %dma_wait3A_132] : memref<6x100000xf32, #tpu.memory_space<hbm>> -> memref<1x100000xf32, #tpu.memory_space<hbm>>
    %dma_wait3A_134 = tpu.memref_squeeze %dma_wait3A_133 : memref<1x100000xf32, #tpu.memory_space<hbm>> -> memref<100000xf32, #tpu.memory_space<hbm>>
    %dma_wait3A_135 = arith.constant 0 : i32
    %dma_wait3A_136 = tpu.memref_slice %dma_wait3A_134[%dma_wait3A_135] : memref<100000xf32, #tpu.memory_space<hbm>> -> memref<100000xf32, #tpu.memory_space<hbm>>
    tpu.wait_indirect_dma semaphore(%arg7 : memref<!tpu.dma_semaphore, #tpu.memory_space<semaphore_mem>>) src(%dma_wait3A_136 : memref<100000xf32, #tpu.memory_space<hbm>>) dst(%dma_wait3A_131 : memref<512xf32, #tpu.memory_space<vmem>>)
    %dma_start3A_137 = arith.constant 3 : i32
    %dma_start3A_138 = arith.constant 3 : i32
    %dma_start3A_139 = arith.constant 0 : i32
    %dma_start3A_140 = tpu.memref_slice %arg6[%dma_start3A_137, %dma_start3A_139] : memref<6x512xf32, #tpu.memory_space<vmem>> -> memref<1x512xf32, #tpu.memory_space<vmem>>
    %dma_start3A_141 = tpu.memref_squeeze %dma_start3A_140 : memref<1x512xf32, #tpu.memory_space<vmem>> -> memref<512xf32, #tpu.memory_space<vmem>>
    %dma_start3A_142 = tpu.memref_slice %arg4[%dma_start3A_138, %mul3A_2] : memref<6x16384xf32, #tpu.memory_space<hbm>> -> memref<1x512xf32, #tpu.memory_space<hbm>>
    %dma_start3A_143 = tpu.memref_squeeze %dma_start3A_142 : memref<1x512xf32, #tpu.memory_space<hbm>> -> memref<512xf32, #tpu.memory_space<hbm>>
    %dma_start3A_144 = tpu.memref_slice %arg4[%dma_start3A_138, %mul3A_2] : memref<6x16384xf32, #tpu.memory_space<hbm>> -> memref<1x512xf32, #tpu.memory_space<hbm>>
    %dma_start3A_145 = tpu.memref_squeeze %dma_start3A_144 : memref<1x512xf32, #tpu.memory_space<hbm>> -> memref<512xf32, #tpu.memory_space<hbm>>
    %dma_start3A_146 = arith.constant 0 : i32
    %dma_start3A_147 = tpu.memref_slice %arg6[%dma_start3A_137, %dma_start3A_146] : memref<6x512xf32, #tpu.memory_space<vmem>> -> memref<1x512xf32, #tpu.memory_space<vmem>>
    %dma_start3A_148 = tpu.memref_squeeze %dma_start3A_147 : memref<1x512xf32, #tpu.memory_space<vmem>> -> memref<512xf32, #tpu.memory_space<vmem>>
    tpu.enqueue_dma source(%dma_start3A_148 : memref<512xf32, #tpu.memory_space<vmem>>) target(%dma_start3A_145 : memref<512xf32, #tpu.memory_space<hbm>>) target_semaphore(%arg8 : memref<!tpu.dma_semaphore, #tpu.memory_space<semaphore_mem>>)
    %dma_wait3A_149 = arith.constant 4 : i32
    %dma_wait3A_150 = arith.constant 4 : i32
    %dma_wait3A_151 = arith.constant 0 : i32
    %dma_wait3A_152 = tpu.memref_slice %arg6[%dma_wait3A_150, %dma_wait3A_151] : memref<6x512xf32, #tpu.memory_space<vmem>> -> memref<1x512xf32, #tpu.memory_space<vmem>>
    %dma_wait3A_153 = tpu.memref_squeeze %dma_wait3A_152 : memref<1x512xf32, #tpu.memory_space<vmem>> -> memref<512xf32, #tpu.memory_space<vmem>>
    %dma_wait3A_154 = arith.constant 0 : i32
    %dma_wait3A_155 = tpu.memref_slice %arg3[%dma_wait3A_149, %dma_wait3A_154] : memref<6x100000xf32, #tpu.memory_space<hbm>> -> memref<1x100000xf32, #tpu.memory_space<hbm>>
    %dma_wait3A_156 = tpu.memref_squeeze %dma_wait3A_155 : memref<1x100000xf32, #tpu.memory_space<hbm>> -> memref<100000xf32, #tpu.memory_space<hbm>>
    %dma_wait3A_157 = arith.constant 0 : i32
    %dma_wait3A_158 = tpu.memref_slice %dma_wait3A_156[%dma_wait3A_157] : memref<100000xf32, #tpu.memory_space<hbm>> -> memref<100000xf32, #tpu.memory_space<hbm>>
    tpu.wait_indirect_dma semaphore(%arg7 : memref<!tpu.dma_semaphore, #tpu.memory_space<semaphore_mem>>) src(%dma_wait3A_158 : memref<100000xf32, #tpu.memory_space<hbm>>) dst(%dma_wait3A_153 : memref<512xf32, #tpu.memory_space<vmem>>)
    %dma_start3A_159 = arith.constant 4 : i32
    %dma_start3A_160 = arith.constant 4 : i32
    %dma_start3A_161 = arith.constant 0 : i32
    %dma_start3A_162 = tpu.memref_slice %arg6[%dma_start3A_159, %dma_start3A_161] : memref<6x512xf32, #tpu.memory_space<vmem>> -> memref<1x512xf32, #tpu.memory_space<vmem>>
    %dma_start3A_163 = tpu.memref_squeeze %dma_start3A_162 : memref<1x512xf32, #tpu.memory_space<vmem>> -> memref<512xf32, #tpu.memory_space<vmem>>
    %dma_start3A_164 = tpu.memref_slice %arg4[%dma_start3A_160, %mul3A_2] : memref<6x16384xf32, #tpu.memory_space<hbm>> -> memref<1x512xf32, #tpu.memory_space<hbm>>
    %dma_start3A_165 = tpu.memref_squeeze %dma_start3A_164 : memref<1x512xf32, #tpu.memory_space<hbm>> -> memref<512xf32, #tpu.memory_space<hbm>>
    %dma_start3A_166 = tpu.memref_slice %arg4[%dma_start3A_160, %mul3A_2] : memref<6x16384xf32, #tpu.memory_space<hbm>> -> memref<1x512xf32, #tpu.memory_space<hbm>>
    %dma_start3A_167 = tpu.memref_squeeze %dma_start3A_166 : memref<1x512xf32, #tpu.memory_space<hbm>> -> memref<512xf32, #tpu.memory_space<hbm>>
    %dma_start3A_168 = arith.constant 0 : i32
    %dma_start3A_169 = tpu.memref_slice %arg6[%dma_start3A_159, %dma_start3A_168] : memref<6x512xf32, #tpu.memory_space<vmem>> -> memref<1x512xf32, #tpu.memory_space<vmem>>
    %dma_start3A_170 = tpu.memref_squeeze %dma_start3A_169 : memref<1x512xf32, #tpu.memory_space<vmem>> -> memref<512xf32, #tpu.memory_space<vmem>>
    tpu.enqueue_dma source(%dma_start3A_170 : memref<512xf32, #tpu.memory_space<vmem>>) target(%dma_start3A_167 : memref<512xf32, #tpu.memory_space<hbm>>) target_semaphore(%arg8 : memref<!tpu.dma_semaphore, #tpu.memory_space<semaphore_mem>>)
    %dma_wait3A_171 = arith.constant 5 : i32
    %dma_wait3A_172 = arith.constant 5 : i32
    %dma_wait3A_173 = arith.constant 0 : i32
    %dma_wait3A_174 = tpu.memref_slice %arg6[%dma_wait3A_172, %dma_wait3A_173] : memref<6x512xf32, #tpu.memory_space<vmem>> -> memref<1x512xf32, #tpu.memory_space<vmem>>
    %dma_wait3A_175 = tpu.memref_squeeze %dma_wait3A_174 : memref<1x512xf32, #tpu.memory_space<vmem>> -> memref<512xf32, #tpu.memory_space<vmem>>
    %dma_wait3A_176 = arith.constant 0 : i32
    %dma_wait3A_177 = tpu.memref_slice %arg3[%dma_wait3A_171, %dma_wait3A_176] : memref<6x100000xf32, #tpu.memory_space<hbm>> -> memref<1x100000xf32, #tpu.memory_space<hbm>>
    %dma_wait3A_178 = tpu.memref_squeeze %dma_wait3A_177 : memref<1x100000xf32, #tpu.memory_space<hbm>> -> memref<100000xf32, #tpu.memory_space<hbm>>
    %dma_wait3A_179 = arith.constant 0 : i32
    %dma_wait3A_180 = tpu.memref_slice %dma_wait3A_178[%dma_wait3A_179] : memref<100000xf32, #tpu.memory_space<hbm>> -> memref<100000xf32, #tpu.memory_space<hbm>>
    tpu.wait_indirect_dma semaphore(%arg7 : memref<!tpu.dma_semaphore, #tpu.memory_space<semaphore_mem>>) src(%dma_wait3A_180 : memref<100000xf32, #tpu.memory_space<hbm>>) dst(%dma_wait3A_175 : memref<512xf32, #tpu.memory_space<vmem>>)
    %dma_start3A_181 = arith.constant 5 : i32
    %dma_start3A_182 = arith.constant 5 : i32
    %dma_start3A_183 = arith.constant 0 : i32
    %dma_start3A_184 = tpu.memref_slice %arg6[%dma_start3A_181, %dma_start3A_183] : memref<6x512xf32, #tpu.memory_space<vmem>> -> memref<1x512xf32, #tpu.memory_space<vmem>>
    %dma_start3A_185 = tpu.memref_squeeze %dma_start3A_184 : memref<1x512xf32, #tpu.memory_space<vmem>> -> memref<512xf32, #tpu.memory_space<vmem>>
    %dma_start3A_186 = tpu.memref_slice %arg4[%dma_start3A_182, %mul3A_2] : memref<6x16384xf32, #tpu.memory_space<hbm>> -> memref<1x512xf32, #tpu.memory_space<hbm>>
    %dma_start3A_187 = tpu.memref_squeeze %dma_start3A_186 : memref<1x512xf32, #tpu.memory_space<hbm>> -> memref<512xf32, #tpu.memory_space<hbm>>
    %dma_start3A_188 = tpu.memref_slice %arg4[%dma_start3A_182, %mul3A_2] : memref<6x16384xf32, #tpu.memory_space<hbm>> -> memref<1x512xf32, #tpu.memory_space<hbm>>
    %dma_start3A_189 = tpu.memref_squeeze %dma_start3A_188 : memref<1x512xf32, #tpu.memory_space<hbm>> -> memref<512xf32, #tpu.memory_space<hbm>>
    %dma_start3A_190 = arith.constant 0 : i32
    %dma_start3A_191 = tpu.memref_slice %arg6[%dma_start3A_181, %dma_start3A_190] : memref<6x512xf32, #tpu.memory_space<vmem>> -> memref<1x512xf32, #tpu.memory_space<vmem>>
    %dma_start3A_192 = tpu.memref_squeeze %dma_start3A_191 : memref<1x512xf32, #tpu.memory_space<vmem>> -> memref<512xf32, #tpu.memory_space<vmem>>
    tpu.enqueue_dma source(%dma_start3A_192 : memref<512xf32, #tpu.memory_space<vmem>>) target(%dma_start3A_189 : memref<512xf32, #tpu.memory_space<hbm>>) target_semaphore(%arg8 : memref<!tpu.dma_semaphore, #tpu.memory_space<semaphore_mem>>)
    %dma_wait3A_193 = arith.constant 0 : i32
    %dma_wait3A_194 = arith.constant 0 : i32
    %dma_wait3A_195 = arith.constant 0 : i32
    %dma_wait3A_196 = tpu.memref_slice %arg6[%dma_wait3A_193, %dma_wait3A_195] : memref<6x512xf32, #tpu.memory_space<vmem>> -> memref<1x512xf32, #tpu.memory_space<vmem>>
    %dma_wait3A_197 = tpu.memref_squeeze %dma_wait3A_196 : memref<1x512xf32, #tpu.memory_space<vmem>> -> memref<512xf32, #tpu.memory_space<vmem>>
    %dma_wait3A_198 = tpu.memref_slice %arg4[%dma_wait3A_194, %mul3A_2] : memref<6x16384xf32, #tpu.memory_space<hbm>> -> memref<1x512xf32, #tpu.memory_space<hbm>>
    %dma_wait3A_199 = tpu.memref_squeeze %dma_wait3A_198 : memref<1x512xf32, #tpu.memory_space<hbm>> -> memref<512xf32, #tpu.memory_space<hbm>>
    %dma_wait3A_200 = tpu.memref_slice %arg4[%dma_wait3A_194, %mul3A_2] : memref<6x16384xf32, #tpu.memory_space<hbm>> -> memref<1x512xf32, #tpu.memory_space<hbm>>
    %dma_wait3A_201 = tpu.memref_squeeze %dma_wait3A_200 : memref<1x512xf32, #tpu.memory_space<hbm>> -> memref<512xf32, #tpu.memory_space<hbm>>
    %dma_wait3A_202 = arith.constant 0 : i32
    %dma_wait3A_203 = tpu.memref_slice %arg6[%dma_wait3A_193, %dma_wait3A_202] : memref<6x512xf32, #tpu.memory_space<vmem>> -> memref<1x512xf32, #tpu.memory_space<vmem>>
    %dma_wait3A_204 = tpu.memref_squeeze %dma_wait3A_203 : memref<1x512xf32, #tpu.memory_space<vmem>> -> memref<512xf32, #tpu.memory_space<vmem>>
    tpu.wait_dma2 semaphore(%arg8 : memref<!tpu.dma_semaphore, #tpu.memory_space<semaphore_mem>>) src(%dma_wait3A_204 : memref<512xf32, #tpu.memory_space<vmem>>) dst(%dma_wait3A_201 : memref<512xf32, #tpu.memory_space<hbm>>)
    %dma_wait3A_205 = arith.constant 1 : i32
    %dma_wait3A_206 = arith.constant 1 : i32
    %dma_wait3A_207 = arith.constant 0 : i32
    %dma_wait3A_208 = tpu.memref_slice %arg6[%dma_wait3A_205, %dma_wait3A_207] : memref<6x512xf32, #tpu.memory_space<vmem>> -> memref<1x512xf32, #tpu.memory_space<vmem>>
    %dma_wait3A_209 = tpu.memref_squeeze %dma_wait3A_208 : memref<1x512xf32, #tpu.memory_space<vmem>> -> memref<512xf32, #tpu.memory_space<vmem>>
    %dma_wait3A_210 = tpu.memref_slice %arg4[%dma_wait3A_206, %mul3A_2] : memref<6x16384xf32, #tpu.memory_space<hbm>> -> memref<1x512xf32, #tpu.memory_space<hbm>>
    %dma_wait3A_211 = tpu.memref_squeeze %dma_wait3A_210 : memref<1x512xf32, #tpu.memory_space<hbm>> -> memref<512xf32, #tpu.memory_space<hbm>>
    %dma_wait3A_212 = tpu.memref_slice %arg4[%dma_wait3A_206, %mul3A_2] : memref<6x16384xf32, #tpu.memory_space<hbm>> -> memref<1x512xf32, #tpu.memory_space<hbm>>
    %dma_wait3A_213 = tpu.memref_squeeze %dma_wait3A_212 : memref<1x512xf32, #tpu.memory_space<hbm>> -> memref<512xf32, #tpu.memory_space<hbm>>
    %dma_wait3A_214 = arith.constant 0 : i32
    %dma_wait3A_215 = tpu.memref_slice %arg6[%dma_wait3A_205, %dma_wait3A_214] : memref<6x512xf32, #tpu.memory_space<vmem>> -> memref<1x512xf32, #tpu.memory_space<vmem>>
    %dma_wait3A_216 = tpu.memref_squeeze %dma_wait3A_215 : memref<1x512xf32, #tpu.memory_space<vmem>> -> memref<512xf32, #tpu.memory_space<vmem>>
    tpu.wait_dma2 semaphore(%arg8 : memref<!tpu.dma_semaphore, #tpu.memory_space<semaphore_mem>>) src(%dma_wait3A_216 : memref<512xf32, #tpu.memory_space<vmem>>) dst(%dma_wait3A_213 : memref<512xf32, #tpu.memory_space<hbm>>)
    %dma_wait3A_217 = arith.constant 2 : i32
    %dma_wait3A_218 = arith.constant 2 : i32
    %dma_wait3A_219 = arith.constant 0 : i32
    %dma_wait3A_220 = tpu.memref_slice %arg6[%dma_wait3A_217, %dma_wait3A_219] : memref<6x512xf32, #tpu.memory_space<vmem>> -> memref<1x512xf32, #tpu.memory_space<vmem>>
    %dma_wait3A_221 = tpu.memref_squeeze %dma_wait3A_220 : memref<1x512xf32, #tpu.memory_space<vmem>> -> memref<512xf32, #tpu.memory_space<vmem>>
    %dma_wait3A_222 = tpu.memref_slice %arg4[%dma_wait3A_218, %mul3A_2] : memref<6x16384xf32, #tpu.memory_space<hbm>> -> memref<1x512xf32, #tpu.memory_space<hbm>>
    %dma_wait3A_223 = tpu.memref_squeeze %dma_wait3A_222 : memref<1x512xf32, #tpu.memory_space<hbm>> -> memref<512xf32, #tpu.memory_space<hbm>>
    %dma_wait3A_224 = tpu.memref_slice %arg4[%dma_wait3A_218, %mul3A_2] : memref<6x16384xf32, #tpu.memory_space<hbm>> -> memref<1x512xf32, #tpu.memory_space<hbm>>
    %dma_wait3A_225 = tpu.memref_squeeze %dma_wait3A_224 : memref<1x512xf32, #tpu.memory_space<hbm>> -> memref<512xf32, #tpu.memory_space<hbm>>
    %dma_wait3A_226 = arith.constant 0 : i32
    %dma_wait3A_227 = tpu.memref_slice %arg6[%dma_wait3A_217, %dma_wait3A_226] : memref<6x512xf32, #tpu.memory_space<vmem>> -> memref<1x512xf32, #tpu.memory_space<vmem>>
    %dma_wait3A_228 = tpu.memref_squeeze %dma_wait3A_227 : memref<1x512xf32, #tpu.memory_space<vmem>> -> memref<512xf32, #tpu.memory_space<vmem>>
    tpu.wait_dma2 semaphore(%arg8 : memref<!tpu.dma_semaphore, #tpu.memory_space<semaphore_mem>>) src(%dma_wait3A_228 : memref<512xf32, #tpu.memory_space<vmem>>) dst(%dma_wait3A_225 : memref<512xf32, #tpu.memory_space<hbm>>)
    %dma_wait3A_229 = arith.constant 3 : i32
    %dma_wait3A_230 = arith.constant 3 : i32
    %dma_wait3A_231 = arith.constant 0 : i32
    %dma_wait3A_232 = tpu.memref_slice %arg6[%dma_wait3A_229, %dma_wait3A_231] : memref<6x512xf32, #tpu.memory_space<vmem>> -> memref<1x512xf32, #tpu.memory_space<vmem>>
    %dma_wait3A_233 = tpu.memref_squeeze %dma_wait3A_232 : memref<1x512xf32, #tpu.memory_space<vmem>> -> memref<512xf32, #tpu.memory_space<vmem>>
    %dma_wait3A_234 = tpu.memref_slice %arg4[%dma_wait3A_230, %mul3A_2] : memref<6x16384xf32, #tpu.memory_space<hbm>> -> memref<1x512xf32, #tpu.memory_space<hbm>>
    %dma_wait3A_235 = tpu.memref_squeeze %dma_wait3A_234 : memref<1x512xf32, #tpu.memory_space<hbm>> -> memref<512xf32, #tpu.memory_space<hbm>>
    %dma_wait3A_236 = tpu.memref_slice %arg4[%dma_wait3A_230, %mul3A_2] : memref<6x16384xf32, #tpu.memory_space<hbm>> -> memref<1x512xf32, #tpu.memory_space<hbm>>
    %dma_wait3A_237 = tpu.memref_squeeze %dma_wait3A_236 : memref<1x512xf32, #tpu.memory_space<hbm>> -> memref<512xf32, #tpu.memory_space<hbm>>
    %dma_wait3A_238 = arith.constant 0 : i32
    %dma_wait3A_239 = tpu.memref_slice %arg6[%dma_wait3A_229, %dma_wait3A_238] : memref<6x512xf32, #tpu.memory_space<vmem>> -> memref<1x512xf32, #tpu.memory_space<vmem>>
    %dma_wait3A_240 = tpu.memref_squeeze %dma_wait3A_239 : memref<1x512xf32, #tpu.memory_space<vmem>> -> memref<512xf32, #tpu.memory_space<vmem>>
    tpu.wait_dma2 semaphore(%arg8 : memref<!tpu.dma_semaphore, #tpu.memory_space<semaphore_mem>>) src(%dma_wait3A_240 : memref<512xf32, #tpu.memory_space<vmem>>) dst(%dma_wait3A_237 : memref<512xf32, #tpu.memory_space<hbm>>)
    %dma_wait3A_241 = arith.constant 4 : i32
    %dma_wait3A_242 = arith.constant 4 : i32
    %dma_wait3A_243 = arith.constant 0 : i32
    %dma_wait3A_244 = tpu.memref_slice %arg6[%dma_wait3A_241, %dma_wait3A_243] : memref<6x512xf32, #tpu.memory_space<vmem>> -> memref<1x512xf32, #tpu.memory_space<vmem>>
    %dma_wait3A_245 = tpu.memref_squeeze %dma_wait3A_244 : memref<1x512xf32, #tpu.memory_space<vmem>> -> memref<512xf32, #tpu.memory_space<vmem>>
    %dma_wait3A_246 = tpu.memref_slice %arg4[%dma_wait3A_242, %mul3A_2] : memref<6x16384xf32, #tpu.memory_space<hbm>> -> memref<1x512xf32, #tpu.memory_space<hbm>>
    %dma_wait3A_247 = tpu.memref_squeeze %dma_wait3A_246 : memref<1x512xf32, #tpu.memory_space<hbm>> -> memref<512xf32, #tpu.memory_space<hbm>>
    %dma_wait3A_248 = tpu.memref_slice %arg4[%dma_wait3A_242, %mul3A_2] : memref<6x16384xf32, #tpu.memory_space<hbm>> -> memref<1x512xf32, #tpu.memory_space<hbm>>
    %dma_wait3A_249 = tpu.memref_squeeze %dma_wait3A_248 : memref<1x512xf32, #tpu.memory_space<hbm>> -> memref<512xf32, #tpu.memory_space<hbm>>
    %dma_wait3A_250 = arith.constant 0 : i32
    %dma_wait3A_251 = tpu.memref_slice %arg6[%dma_wait3A_241, %dma_wait3A_250] : memref<6x512xf32, #tpu.memory_space<vmem>> -> memref<1x512xf32, #tpu.memory_space<vmem>>
    %dma_wait3A_252 = tpu.memref_squeeze %dma_wait3A_251 : memref<1x512xf32, #tpu.memory_space<vmem>> -> memref<512xf32, #tpu.memory_space<vmem>>
    tpu.wait_dma2 semaphore(%arg8 : memref<!tpu.dma_semaphore, #tpu.memory_space<semaphore_mem>>) src(%dma_wait3A_252 : memref<512xf32, #tpu.memory_space<vmem>>) dst(%dma_wait3A_249 : memref<512xf32, #tpu.memory_space<hbm>>)
    %dma_wait3A_253 = arith.constant 5 : i32
    %dma_wait3A_254 = arith.constant 5 : i32
    %dma_wait3A_255 = arith.constant 0 : i32
    %dma_wait3A_256 = tpu.memref_slice %arg6[%dma_wait3A_253, %dma_wait3A_255] : memref<6x512xf32, #tpu.memory_space<vmem>> -> memref<1x512xf32, #tpu.memory_space<vmem>>
    %dma_wait3A_257 = tpu.memref_squeeze %dma_wait3A_256 : memref<1x512xf32, #tpu.memory_space<vmem>> -> memref<512xf32, #tpu.memory_space<vmem>>
    %dma_wait3A_258 = tpu.memref_slice %arg4[%dma_wait3A_254, %mul3A_2] : memref<6x16384xf32, #tpu.memory_space<hbm>> -> memref<1x512xf32, #tpu.memory_space<hbm>>
    %dma_wait3A_259 = tpu.memref_squeeze %dma_wait3A_258 : memref<1x512xf32, #tpu.memory_space<hbm>> -> memref<512xf32, #tpu.memory_space<hbm>>
    %dma_wait3A_260 = tpu.memref_slice %arg4[%dma_wait3A_254, %mul3A_2] : memref<6x16384xf32, #tpu.memory_space<hbm>> -> memref<1x512xf32, #tpu.memory_space<hbm>>
    %dma_wait3A_261 = tpu.memref_squeeze %dma_wait3A_260 : memref<1x512xf32, #tpu.memory_space<hbm>> -> memref<512xf32, #tpu.memory_space<hbm>>
    %dma_wait3A_262 = arith.constant 0 : i32
    %dma_wait3A_263 = tpu.memref_slice %arg6[%dma_wait3A_253, %dma_wait3A_262] : memref<6x512xf32, #tpu.memory_space<vmem>> -> memref<1x512xf32, #tpu.memory_space<vmem>>
    %dma_wait3A_264 = tpu.memref_squeeze %dma_wait3A_263 : memref<1x512xf32, #tpu.memory_space<vmem>> -> memref<512xf32, #tpu.memory_space<vmem>>
    tpu.wait_dma2 semaphore(%arg8 : memref<!tpu.dma_semaphore, #tpu.memory_space<semaphore_mem>>) src(%dma_wait3A_264 : memref<512xf32, #tpu.memory_space<vmem>>) dst(%dma_wait3A_261 : memref<512xf32, #tpu.memory_space<hbm>>)
    return
  }
}

</mosaic_0001>

<sc_bundles>
// kernel: kernel.3.cloned.1.call-start
scs
__scs_entry_jumppad:
0x0: {  	(pc) =	sbr.rel $0x88, $3  }
0x1: {  	(tag) =	ssettag $0x0;
	lr =	simm.s32 $0x1  }
0x2: {  	[smem:$0x3F9F] =	sst lr;
	_ =	strace $0xD0000000  }
0x3: {  	_ = 	snop  }
0x4: {  	_ = 	snop  }
0x5: {  	_ = 	snop  }
0x6: {  	_ = 	snop  }
0x7: {  	_ = 	snop  }
__scs_overlays_trampoline_lowered:
0x8: {  	[smem:$0x3FAE] =	sst s0  }
0x9: {  	[smem:$0x3FAF] =	sst s1  }
0xa: {  	[smem:$0x3FB0] =	sst s2  }
0xb: {  	[smem:$0x3FB1] =	sst s3  }
0xc: {  	[smem:$0x3FB2] =	sst s4  }
0xd: {  	[smem:$0x3FB3] =	sst s5  }
0xe: {  	[smem:$0x3FB4] =	sst s6  }
0xf: {  	[smem:$0x3FB5] =	sst s7  }
0x10: {  	[smem:$0x3FB6] =	sst s8  }
0x11: {  	[smem:$0x3FB7] =	sst s9;
	s0 =	simm.s32 @!p0 $0x0  }
0x12: {  	s1 =	sld [smem:$0x3F9D];
	s0 =	simm.s32 @p0 $0x1  }
0x13: {  	[smem:$0x3FB8] =	sst s0;
	s0 =	simm.s32 @!p1 $0x0  }
0x14: {  	s2 =	sld [smem:$0x3F9C];
	s0 =	simm.s32 @p1 $0x1  }
0x15: {  	[smem:$0x3FB9] =	sst s0;
	s0 =	simm.s32 @!p2 $0x0  }
0x16: {  	s3 =	sld [smem:$0x3FDB];
	s0 =	simm.s32 @p2 $0x1  }
0x17: {  	s4 =	simm.s32 $0x1BF5;
	[smem:$0x3FBB] =	sst s0  }
0x18: {  	s0 =	sld [smem:$0x3F9E];
	_ =	swait.ge [sflag:s4], $0x0  }
0x19: {  	s7 =	sld [smem:$0x3F9F]  }
0x1a: {  	s8 =	sadd.s32 $0xFFFFE003, lr  }
0x1b: {  	s9 =	sadd.s32 $0xFFFFFEF7, lr;
	s5 =	simm.s32 $0xFFFFFFFF;
	p2 =	slt.u32 s8, $0xFFFFF086  }
0x1c: {  	p1 =	slt.u32 s9, $0xF7A;
	s5 =	simm.s32 @!p2 $0x0  }
0x1d: {  	s5 =	simm.s32 @p1 $0x1;
	p0 =	seq.s32 s7, s2  }
0x1e: {  	s7 =	smul.u32 @!p0 $0xF7A, s2;
	p2 =	seq.s32 @!p0 s5, $0x0  }
0x1f: {  	s9 =	smul.u32 $0xF7A, s1;
	s8 =	simm.s32 @!p0 $0x1BF5;
	p2 =	por !p2, p0  }
0x20: {  	[sflag:s8] =	ssyncset.s32 @!p0 $0xFFFFF086;
	s6 =	sadd.s32 @!p0 s3, s7;
	s7 =	simm.s32 @!p0 $0x108  }
0x21: {  	s3 =	sadd.s32 s3, s9;
	s6 =	sadd.s32 @!p0 $0x88, s6;
	s7 =	simm.s32 @p2 $0x1082  }
0x22: {  	[simem:s7], [sflag:s8] =	dma.local @!p0 [hbm:s6], $0xF7A  }
0x23: {  	s9 =	sor.u32 $0xD0000000, s2;
	s6 =	simm.s32 $0x108;
	_ =	swait.ge @!p0 [sflag:s8], $0x0  }
0x24: {  	s3 =	sadd.s32 $0x88, s3;
	s6 =	simm.s32 @!p1 $0x1082;
	[sflag:s4] =	ssyncset.s32 $0xFFFFF086  }
0x25: {  	[simem:s6], [sflag:s4] =	dma.local [hbm:s3], $0xF7A  }
0x26: {  	[smem:$0x3F9F] =	sst s1;
	(tag) =	ssettag s2;
	_ =	strace s9  }
0x27: {  	s1 =	sld [smem:$0x3FAF]  }
0x28: {  	s2 =	sld [smem:$0x3FB0]  }
0x29: {  	s4 =	sld [smem:$0x3FB2]  }
0x2a: {  	p0 =	seq.s32 s5, $0x0;
	s5 =	sld [smem:$0x3FB3]  }
0x2b: {  	s6 =	sld [smem:$0x3FB4]  }
0x2c: {  	s7 =	sld [smem:$0x3FB5]  }
0x2d: {  	s3 =	simm.s32 $0x108;
	s8 =	sld [smem:$0x3FB6]  }
0x2e: {  	s3 =	simm.s32 @!p0 $0x1082;
	s9 =	sld [smem:$0x3FB7]  }
0x2f: {  	lr =	sadd.s32 s0, s3;
	s0 =	sld [smem:$0x3FAE]  }
0x30: {  	s3 =	sld [smem:$0x3FB1]  }
0x31: {  	[smem:$0x3FBA] =	sst s10  }
0x32: {  	s10 =	sld [smem:$0x3FB8];
	_ =	sdelay $0x3  }
0x33: {  	p0 =	seq.s32 s10, $0x1;
	s10 =	sld [smem:$0x3FBA];
	_ =	sdelay $0x3  }
0x34: {  	[smem:$0x3FBA] =	sst s10  }
0x35: {  	s10 =	sld [smem:$0x3FB9];
	_ =	sdelay $0x3  }
0x36: {  	p1 =	seq.s32 s10, $0x1;
	s10 =	sld [smem:$0x3FBA];
	_ =	sdelay $0x3  }
0x37: {  	[smem:$0x3FBA] =	sst s10  }
0x38: {  	s10 =	sld [smem:$0x3FBB]  }
0x39: {  	_ = 	snop;
	(pc) =	sbr.ind lr, $3  }
0x3a: {  	_ = 	snop  }
0x3b: {  	_ = 	snop  }
0x3c: {  	p2 =	seq.s32 s10, $0x1;
	s10 =	sld [smem:$0x3FBA]  }
0x3d: {  	_ =	shalt  }
0x3e: {  	_ =	shalt  }
0x3f: {  	_ =	shalt  }
0x40: {  	_ =	shalt  }
0x41: {  	_ =	shalt  }
0x42: {  	_ =	shalt  }
0x43: {  	_ =	shalt  }
0x44: {  	_ =	shalt  }
0x45: {  	_ =	shalt  }
0x46: {  	_ =	shalt  }
0x47: {  	_ =	shalt  }
0x48: {  	_ =	shalt  }
0x49: {  	_ =	shalt  }
0x4a: {  	_ =	shalt  }
0x4b: {  	_ =	shalt  }
0x4c: {  	_ =	shalt  }
0x4d: {  	_ =	shalt  }
0x4e: {  	_ =	shalt  }
0x4f: {  	_ =	shalt  }
0x50: {  	_ =	shalt  }
0x51: {  	_ =	shalt  }
0x52: {  	_ =	shalt  }
0x53: {  	_ =	shalt  }
0x54: {  	_ =	shalt  }
0x55: {  	_ =	shalt  }
0x56: {  	_ =	shalt  }
0x57: {  	_ =	shalt  }
0x58: {  	_ =	shalt  }
0x59: {  	_ =	shalt  }
0x5a: {  	_ =	shalt  }
0x5b: {  	_ =	shalt  }
0x5c: {  	_ =	shalt  }
0x5d: {  	_ =	shalt  }
0x5e: {  	_ =	shalt  }
0x5f: {  	_ =	shalt  }
0x60: {  	_ =	shalt  }
0x61: {  	_ =	shalt  }
0x62: {  	_ =	shalt  }
0x63: {  	_ =	shalt  }
0x64: {  	_ =	shalt  }
0x65: {  	_ =	shalt  }
0x66: {  	_ =	shalt  }
0x67: {  	_ =	shalt  }
0x68: {  	_ =	shalt  }
0x69: {  	_ =	shalt  }
0x6a: {  	_ =	shalt  }
0x6b: {  	_ =	shalt  }
0x6c: {  	_ =	shalt  }
0x6d: {  	_ =	shalt  }
0x6e: {  	_ =	shalt  }
0x6f: {  	_ =	shalt  }
0x70: {  	_ =	shalt  }
0x71: {  	_ =	shalt  }
0x72: {  	_ =	shalt  }
0x73: {  	_ =	shalt  }
0x74: {  	_ =	shalt  }
0x75: {  	_ =	shalt  }
0x76: {  	_ =	shalt  }
0x77: {  	_ =	shalt  }
0x78: {  	_ =	shalt  }
0x79: {  	_ =	shalt  }
0x7a: {  	_ =	shalt  }
0x7b: {  	_ =	shalt  }
0x7c: {  	_ =	shalt  }
0x7d: {  	_ =	shalt  }
0x7e: {  	_ =	shalt  }
0x7f: {  	_ =	shalt  }
0x80: {  	_ =	shalt  }
0x81: {  	_ =	shalt  }
0x82: {  	_ =	shalt  }
0x83: {  	_ =	shalt  }
0x84: {  	_ =	shalt  }
0x85: {  	_ =	shalt  }
0x86: {  	_ =	shalt  }
0x87: {  	_ =	shalt  }
.Lfunc_end0:
.L_simem_size_0:
called_computation_lowered:
.L_overlay_start_0:
0x88: {  	s2 =	sld [smem:$0x3FD9]  }
0x89: {  	s3 =	sld [smem:$0x3FFE];
	_ =	sdelay $0x1  }
0x8a: {  	s1 =	srdreg.scid  }
0x8b: {  	s0 =	sand.u32 $0x1, s1  }
0x8c: {  	s17 =	sshll.u32 s0, $0xA;
	s2 =	sadd.s32 s3, s2  }
0x8d: {  	s2 =	sadd.s32 s2, s17  }
0x8e: {  	[smem:$0x3FC6] =	sst s2  }
0x8f: {  	_ = 	snop  }
0x90: {  	s2 =	sld [smem:$0x3FC9];
	(tm) =	ssettm $0x1  }
0x91: {  	s18 =	sld [smem:$0x3FFB];
	_ =	sdelay $0x3  }
0x92: {  	_ =	strace s18  }
0x93: {  	s3 =	sld [smem:$0x3FFC];
	_ =	sdelay $0x3  }
0x94: {  	_ =	strace s3  }
0x95: {  	s3 =	sld [smem:$0x3FFD];
	_ =	sdelay $0x3  }
0x96: {  	_ =	strace s3  }
0x97: {  	_ =	strace $0x8FFFFFFF  }
0x98: {  	s19 =	sld [smem:$0x3FDB];
	_ =	sdelay $0x1  }
0x99: {  	s4 =	simm.s32 $_scs_section_size  }
0x9a: {  	s5 =	simm.s32 $_size__tile_overlayer_lowered;
	s6 =	simm.s32 $_tile_overlayer_lowered  }
0x9b: {  	s22 =	simm.s32 $0x1BFF;
	s21 =	sshll.u32 s6, $0x1;
	s3 =	sadd.s32 s4, s19  }
0x9c: {  	s7 =	simm.s32 $0x0;
	s20 =	sshll.u32 s5, $0x1;
	s5 =	sadd.s32 s21, s3  }
0x9d: {  	[timem:s7], [sflag:s22] =	dma.local [hbm:s5], s20  }
0x9e: {  	_ =	swait.ge [sflag:s22], s20  }
0x9f: {  	s4 =	ssub.s32 $0x0, s20;
	[sflag:s22] =	ssyncset.done $0x0  }
0xa0: {  	[sflag:s22] =	ssyncadd.s32 s4;
	_ =	sdelay $0x1  }
0xa1: {  	s23 =	simm.s32 $0x1B8B  }
0xa2: {  	_ =	swait.ge [sflag:s23], $0x1  }
0xa3: {  	[sflag:s23] =	ssyncset.done $0x0  }
0xa4: {  	s25 =	simm.s32 $0x1B8E;
	s24 =	sld [smem:$0x3FFE];
	[sflag:s23] =	ssyncadd.s32 $0xFFFFFFFF  }
0xa5: {  	s26 =	simm.s32 $execute0_lowered;
	[smem:$0x3FD2] =	sst s25  }
0xa6: {  	s5 =	sshll.u32 s26, $0x1;
	_ =	strace $0x80000046;
	[dreg:$0x1] =	wrdreg $0xFFFFFFFF  }
0xa7: {  	s28 =	simm.s32 $_size_execute0_lowered;
	s3 =	sadd.s32 s3, s5;
	[dreg:$0x0] =	wrdreg $0x0  }
0xa8: {  	s5 =	sshll.u32 s28, $0x1;
	[dreg:$0x2] =	wrdreg s3  }
0xa9: {  	[dreg:$0x3] =	wrdreg s5  }
0xaa: {  	[dreg:$0x4] =	wrdreg $0xC0  }
0xab: {  	_ =	task [dreg:s7], $0x5FFFF  }
0xac: {  	[dreg:$0x1] =	wrdreg $0xFFFFFFFF  }
0xad: {  	[dreg:$0x0] =	wrdreg $0x60  }
0xae: {  	[dreg:$0x2] =	wrdreg s2  }
0xaf: {  	[dreg:$0x3] =	wrdreg s24  }
0xb0: {  	[dreg:$0x4] =	wrdreg $0x9  }
0xb1: {  	_ =	task.clear_ibuf [dreg:s7], $0x5FFFF;
	_ =	strace $0x90000046  }
0xb2: {  	s29 =	simm.s32 $0x9;
	_ =	strace $0x80000048  }
0xb3: {  	_ =	swait.ge [sflag:s29], $0x1  }
0xb4: {  	[sflag:s29] =	ssyncadd.s32 $0xFFFFFFFF  }
0xb5: {  	_ =	strace $0x90000048  }
0xb6: {  	_ =	sfence  }
0xb7: {  	s30 =	sld [smem:$0x0];
	_ =	sdelay $0x2  }
0xb8: {  	s31 =	sshll.u32 s1, $0xD;
	s1 =	sshrl.u32 s1, $0x2  }
0xb9: {  	s3 =	sand.u32 $0x4000, s31;
	s1 =	sadd.s32 s1, s30  }
0xba: {  	s0 =	sor.u32 s3, s0;
	s1 =	sshll.u32 s1, $0x11  }
0xbb: {  	s0 =	sor.u32 s1, s0  }
0xbc: {  	s0 =	sadd.s32 $0x8F2B, s0  }
0xbd: {  	[sflag:s0] =	ssyncadd.remote.s32 $0x1  }
0xbe: {  	_ =	sfence.sel $0xFFFF  }
0xbf: {  	[dreg:$0x0] =	wrdreg $0xFFFFFFFF;
	(pc) =	sbr.abs _section_cstart, $3  }
0xc0: {  	[dreg:$0x1] =	wrdreg $0xFFFFFFFF  }
0xc1: {  	_ =	task.clear_ibuf [dreg:s7], $0x2FFFF;
	_ =	strace $0x9FFFFFFF  }
0xc2: {  	(tm) =	ssettm $0x7FFFFFFF  }
0xc3: {  	_ =	shalt  }
tec
execute0_lowered:
.L_overlay_start_1:
0x0: {  	(tag) =	ssettag $0x1  }
0x1: {  	s3 =	rddreg [dreg:$0x0]  }
0x2: {  	s18 =	rddreg [dreg:$0x1];
	s2 =	srdreg.scid  }
0x3: {  	s0 =	rddreg [dreg:$0x2];
	s1 =	stileid.u32;
	s25 =	sand.u32 $0x1, s2  }
0x4: {  	s2 =	simm.s32 $0x0;
	s4 =	sshll.u32 s1, $0x7;
	s5 =	sshll.u32 s25, $0x6  }
0x5: {  	[smem:$0x7FF] =	sst s2;
	s19 =	sor.u32 s5, s4  }
0x6: {  	_ =	strace $0x80000047;
	s4 =	simm.s32 $0x3;
	s3 =	sadd.s32 s3, s19  }
0x7: {  	[tilespmem:s2], [sflag:$0x3] =	stream.linear.gather [hbm4b:s3+s2], $0x200, $0x38;
	[tilespmem:$0xE00] =	vst v63  }
0x8: {  	_ =	swait.ge [sflag:s4], $0x200  }
0x9: {  	[sflag:s4] =	ssyncset.done $0x0  }
0xa: {  	s6 =	simm.s32 $0x200;
	s5 =	sadd.s32 $0x400, s18;
	[sflag:s4] =	ssyncadd.s32 $0xFFFFFE00  }
0xb: {  	[tilespmem:s6], [sflag:$0x1] =	stream.indirect.gather [hbm4b:s5+s6], $0x1, s2, s6, $0xb8;
	[tilespmem:$0xE00] =	vst v63  }
0xc: {  	s8 =	simm.s32 $0x400;
	s7 =	sadd.s32 $0x34D4, s18  }
0xd: {  	[tilespmem:s8], [sflag:$0x1] =	stream.indirect.gather [hbm4b:s7+s6], $0x1, s2, s6, $0xb8;
	[tilespmem:$0xE00] =	vst v63  }
0xe: {  	s10 =	simm.s32 $0x600;
	s9 =	sadd.s32 $0x65A8, s18  }
0xf: {  	[tilespmem:s10], [sflag:$0x1] =	stream.indirect.gather [hbm4b:s9+s6], $0x1, s2, s6, $0xb8;
	[tilespmem:$0xE00] =	vst v63  }
0x10: {  	s12 =	simm.s32 $0x800;
	s11 =	sadd.s32 $0x967C, s18  }
0x11: {  	[tilespmem:s12], [sflag:$0x1] =	stream.indirect.gather [hbm4b:s11+s6], $0x1, s2, s6, $0xb8;
	[tilespmem:$0xE00] =	vst v63  }
0x12: {  	s14 =	simm.s32 $0xA00;
	s13 =	sadd.s32 $0xC750, s18  }
0x13: {  	[tilespmem:s14], [sflag:$0x1] =	stream.indirect.gather [hbm4b:s13+s6], $0x1, s2, s6, $0xb8;
	[tilespmem:$0xE00] =	vst v63  }
0x14: {  	s16 =	simm.s32 $0xC00;
	s17 =	simm.s32 $0x1;
	s15 =	sadd.s32 $0xF824, s18  }
0x15: {  	[tilespmem:s16], [sflag:$0x1] =	stream.indirect.gather [hbm4b:s15+s6], $0x1, s2, s6, $0xb8;
	[tilespmem:$0xE00] =	vst v63  }
0x16: {  	_ =	swait.ge [sflag:s17], $0x200  }
0x17: {  	s23 =	sadd.s32 s19, s18;
	[sflag:s17] =	ssyncset.done $0x0  }
0x18: {  	s18 =	sadd.s32 $0x12A00, s23;
	[sflag:s17] =	ssyncadd.s32 $0xFFFFFE00  }
0x19: {  	[hbm4b:s18+s2] =	stream.linear.scatter [tilespmem:s6], [sflag:$0x2], $0x200, $0x38;
	[tilespmem:$0xE00] =	vst v63  }
0x1a: {  	_ =	swait.ge [sflag:s17], $0x200  }
0x1b: {  	[sflag:s17] =	ssyncset.done $0x0  }
0x1c: {  	s19 =	sadd.s32 $0x13200, s23;
	[sflag:s17] =	ssyncadd.s32 $0xFFFFFE00  }
0x1d: {  	[hbm4b:s19+s2] =	stream.linear.scatter [tilespmem:s8], [sflag:$0x2], $0x200, $0x38;
	[tilespmem:$0xE00] =	vst v63  }
0x1e: {  	_ =	swait.ge [sflag:s17], $0x200  }
0x1f: {  	[sflag:s17] =	ssyncset.done $0x0  }
0x20: {  	s20 =	sadd.s32 $0x13A00, s23;
	[sflag:s17] =	ssyncadd.s32 $0xFFFFFE00  }
0x21: {  	[hbm4b:s20+s2] =	stream.linear.scatter [tilespmem:s10], [sflag:$0x2], $0x200, $0x38;
	[tilespmem:$0xE00] =	vst v63  }
0x22: {  	_ =	swait.ge [sflag:s17], $0x200  }
0x23: {  	[sflag:s17] =	ssyncset.done $0x0  }
0x24: {  	s21 =	sadd.s32 $0x14200, s23;
	[sflag:s17] =	ssyncadd.s32 $0xFFFFFE00  }
0x25: {  	[hbm4b:s21+s2] =	stream.linear.scatter [tilespmem:s12], [sflag:$0x2], $0x200, $0x38;
	[tilespmem:$0xE00] =	vst v63  }
0x26: {  	_ =	swait.ge [sflag:s17], $0x200  }
0x27: {  	[sflag:s17] =	ssyncset.done $0x0  }
0x28: {  	s22 =	sadd.s32 $0x14A00, s23;
	[sflag:s17] =	ssyncadd.s32 $0xFFFFFE00  }
0x29: {  	[hbm4b:s22+s2] =	stream.linear.scatter [tilespmem:s14], [sflag:$0x2], $0x200, $0x38;
	[tilespmem:$0xE00] =	vst v63  }
0x2a: {  	_ =	swait.ge [sflag:s17], $0x200  }
0x2b: {  	[sflag:s17] =	ssyncset.done $0x0  }
0x2c: {  	s24 =	sadd.s32 $0x15200, s23;
	s23 =	simm.s32 $0x2;
	[sflag:s17] =	ssyncadd.s32 $0xFFFFFE00  }
0x2d: {  	[hbm4b:s24+s2] =	stream.linear.scatter [tilespmem:s16], [sflag:$0x2], $0x200, $0x38;
	[tilespmem:$0xE00] =	vst v63  }
0x2e: {  	_ =	swait.ge [sflag:s23], $0x200  }
0x2f: {  	[sflag:s23] =	ssyncset.done $0x0  }
0x30: {  	[sflag:s23] =	ssyncadd.s32 $0xFFFFFE00  }
0x31: {  	_ =	swait.ge [sflag:s23], $0x200  }
0x32: {  	[sflag:s23] =	ssyncset.done $0x0  }
0x33: {  	[sflag:s23] =	ssyncadd.s32 $0xFFFFFE00  }
0x34: {  	_ =	swait.ge [sflag:s23], $0x200  }
0x35: {  	s25 =	ssub.s32 $0x2, s25;
	[sflag:s23] =	ssyncset.done $0x0  }
0x36: {  	s26 =	sshrl.u32 s25, $0x1;
	[sflag:s23] =	ssyncadd.s32 $0xFFFFFE00  }
0x37: {  	s25 =	ssub.s32 s25, s26;
	_ =	swait.ge [sflag:s23], $0x200  }
0x38: {  	s25 =	smax.u32 s25, $0x1;
	[sflag:s23] =	ssyncset.done $0x0  }
0x39: {  	p0 =	sne.s32 s25, $0x1;
	[sflag:s23] =	ssyncadd.s32 $0xFFFFFE00  }
.Ltmp0:
0x3a: {  	_ =	swait.ge [sflag:s23], $0x200;
	(pc) =	sbr.rel @!p0 .LBB2_2-.Ltmp0, $4  }
0x3b: {  	[sflag:s23] =	ssyncset.done $0x0  }
0x3c: {  	[sflag:s23] =	ssyncadd.s32 $0xFFFFFE00  }
0x3d: {  	_ =	swait.ge [sflag:s23], $0x200  }
0x3e: {  	s25 =	sadd.s32 $0xFFFFFFFF, s25;
	[sflag:s23] =	ssyncset.done $0x0  }
.LBB2_1:
0x3f: {  	p0 =	sne.s32 s25, $0x1;
	s25 =	sadd.s32 $0xFFFFFFFF, s25;
	[sflag:s23] =	ssyncadd.s32 $0xFFFFFE00  }
0x40: {  	[tilespmem:s2], [sflag:$0x3] =	stream.linear.gather [hbm4b:s3+s2], $0x200, $0x38;
	[tilespmem:$0xE00] =	vst v63  }
0x41: {  	_ =	swait.ge [sflag:s4], $0x200  }
0x42: {  	[sflag:s4] =	ssyncset.done $0x0  }
0x43: {  	[sflag:s4] =	ssyncadd.s32 $0xFFFFFE00  }
0x44: {  	[tilespmem:s6], [sflag:$0x1] =	stream.indirect.gather [hbm4b:s5+s6], $0x1, s2, s6, $0xb8;
	[tilespmem:$0xE00] =	vst v63  }
0x45: {  	_ = 	snop  }
0x46: {  	[tilespmem:s8], [sflag:$0x1] =	stream.indirect.gather [hbm4b:s7+s6], $0x1, s2, s6, $0xb8;
	[tilespmem:$0xE00] =	vst v63  }
0x47: {  	_ = 	snop  }
0x48: {  	[tilespmem:s10], [sflag:$0x1] =	stream.indirect.gather [hbm4b:s9+s6], $0x1, s2, s6, $0xb8;
	[tilespmem:$0xE00] =	vst v63  }
0x49: {  	_ = 	snop  }
0x4a: {  	[tilespmem:s12], [sflag:$0x1] =	stream.indirect.gather [hbm4b:s11+s6], $0x1, s2, s6, $0xb8;
	[tilespmem:$0xE00] =	vst v63  }
0x4b: {  	_ = 	snop  }
0x4c: {  	[tilespmem:s14], [sflag:$0x1] =	stream.indirect.gather [hbm4b:s13+s6], $0x1, s2, s6, $0xb8;
	[tilespmem:$0xE00] =	vst v63  }
0x4d: {  	_ = 	snop  }
0x4e: {  	[tilespmem:s16], [sflag:$0x1] =	stream.indirect.gather [hbm4b:s15+s6], $0x1, s2, s6, $0xb8;
	[tilespmem:$0xE00] =	vst v63  }
0x4f: {  	_ =	swait.ge [sflag:s17], $0x200  }
0x50: {  	[sflag:s17] =	ssyncset.done $0x0  }
0x51: {  	[sflag:s17] =	ssyncadd.s32 $0xFFFFFE00  }
0x52: {  	[hbm4b:s18+s2] =	stream.linear.scatter [tilespmem:s6], [sflag:$0x2], $0x200, $0x38;
	[tilespmem:$0xE00] =	vst v63  }
0x53: {  	_ =	swait.ge [sflag:s17], $0x200  }
0x54: {  	[sflag:s17] =	ssyncset.done $0x0  }
0x55: {  	[sflag:s17] =	ssyncadd.s32 $0xFFFFFE00  }
0x56: {  	[hbm4b:s19+s2] =	stream.linear.scatter [tilespmem:s8], [sflag:$0x2], $0x200, $0x38;
	[tilespmem:$0xE00] =	vst v63  }
0x57: {  	_ =	swait.ge [sflag:s17], $0x200  }
0x58: {  	[sflag:s17] =	ssyncset.done $0x0  }
0x59: {  	[sflag:s17] =	ssyncadd.s32 $0xFFFFFE00  }
0x5a: {  	[hbm4b:s20+s2] =	stream.linear.scatter [tilespmem:s10], [sflag:$0x2], $0x200, $0x38;
	[tilespmem:$0xE00] =	vst v63  }
0x5b: {  	_ =	swait.ge [sflag:s17], $0x200  }
0x5c: {  	[sflag:s17] =	ssyncset.done $0x0  }
0x5d: {  	[sflag:s17] =	ssyncadd.s32 $0xFFFFFE00  }
0x5e: {  	[hbm4b:s21+s2] =	stream.linear.scatter [tilespmem:s12], [sflag:$0x2], $0x200, $0x38;
	[tilespmem:$0xE00] =	vst v63  }
0x5f: {  	_ =	swait.ge [sflag:s17], $0x200  }
0x60: {  	[sflag:s17] =	ssyncset.done $0x0  }
0x61: {  	[sflag:s17] =	ssyncadd.s32 $0xFFFFFE00  }
0x62: {  	[hbm4b:s22+s2] =	stream.linear.scatter [tilespmem:s14], [sflag:$0x2], $0x200, $0x38;
	[tilespmem:$0xE00] =	vst v63  }
0x63: {  	_ =	swait.ge [sflag:s17], $0x200  }
0x64: {  	[sflag:s17] =	ssyncset.done $0x0  }
0x65: {  	[sflag:s17] =	ssyncadd.s32 $0xFFFFFE00  }
0x66: {  	[hbm4b:s24+s2] =	stream.linear.scatter [tilespmem:s16], [sflag:$0x2], $0x200, $0x38;
	[tilespmem:$0xE00] =	vst v63  }
0x67: {  	_ =	swait.ge [sflag:s23], $0x200  }
0x68: {  	[sflag:s23] =	ssyncset.done $0x0  }
0x69: {  	[sflag:s23] =	ssyncadd.s32 $0xFFFFFE00  }
0x6a: {  	_ =	swait.ge [sflag:s23], $0x200  }
0x6b: {  	[sflag:s23] =	ssyncset.done $0x0  }
0x6c: {  	[sflag:s23] =	ssyncadd.s32 $0xFFFFFE00  }
0x6d: {  	_ =	swait.ge [sflag:s23], $0x200  }
0x6e: {  	[sflag:s23] =	ssyncset.done $0x0  }
0x6f: {  	[sflag:s23] =	ssyncadd.s32 $0xFFFFFE00  }
0x70: {  	_ =	swait.ge [sflag:s23], $0x200  }
0x71: {  	[sflag:s23] =	ssyncset.done $0x0  }
0x72: {  	[sflag:s23] =	ssyncadd.s32 $0xFFFFFE00  }
.Ltmp1:
0x73: {  	_ =	swait.ge [sflag:s23], $0x200;
	(pc) =	sbr.rel @p0 .LBB2_1-.Ltmp1, $4  }
0x74: {  	[sflag:s23] =	ssyncset.done $0x0  }
0x75: {  	[sflag:s23] =	ssyncadd.s32 $0xFFFFFE00  }
0x76: {  	_ =	swait.ge [sflag:s23], $0x200  }
0x77: {  	[sflag:s23] =	ssyncset.done $0x0  }
.LBB2_2:
0x78: {  	[sflag:s23] =	ssyncadd.s32 $0xFFFFFE00  }
0x79: {  	_ =	sfence.sel $0x180000  }
0x7a: {  	[bflag:$0x0] =	sbarrier.arrive $0xFFFF  }
0x7b: {  	p0 =	sne.s32 s1, $0x0;
	_ =	strace $0x90000047  }
0x7c: {  	s0 =	sadd.s32 @!p0 $0x100000, s0;
	[bflag:$0x2] =	sbarrier.arrive $0xFFFF  }
0x7d: {  	[sflag:s0] =	ssyncadd.tile.s32 @!p0 $0x1;
	_ =	shalt  }
.Lfunc_end2:
_tile_overlayer_lowered:
.L_overlay_start_2:
0x7e: {  	(tag) =	ssettag $0x2  }
0x7f: {  	s0 =	rddreg [dreg:$0x0];
	s2 =	stileid.u32  }
0x80: {  	s1 =	rddreg [dreg:$0x1];
	p0 =	sne.s32 s2, $0x0  }
0x81: {  	s3 =	rddreg [dreg:$0x2];
	[bflag:$0x3] =	sbarrier.arrive $0xFFFF;
	s2 =	simm.s32 @!p0 $0x1C03  }
0x82: {  	[timem:s3], [sflag:s2] =	dma.local @!p0 [hbm:s0], s1  }
0x83: {  	s0 =	simm.s32 @!p0 $0x3  }
0x84: {  	_ =	swait.ge @!p0 [sflag:s0], s1  }
0x85: {  	s1 =	ssub.s32 @!p0 $0x0, s1;
	[sflag:s0] =	ssyncset.done @!p0 $0x0  }
0x86: {  	[sflag:s0] =	ssyncadd.s32 @!p0 s1  }
0x87: {  	[bflag:$0x3] =	sbarrier.arrive $0xFFFF  }
0x88: {  	_ =	shalt  }

</sc_bundles>
